<compile_context>
chip_gen: v7x
topology: tpu7x:2x2x1
jax: 0.10.2.dev20260603
libtpu: 0.0.44.dev20260713+nightly
codegen_flags: <defaults>
</compile_context>

<pallas_src>
import jax
import jax.numpy as jnp
from jax import lax
from jax.experimental import pallas as pl
from jax.experimental.pallas import tpu as pltpu
from jax.experimental.pallas import tpu_sc as plsc

N_FEATURES = 131072
D_MODEL = 2048
K = 64
FULL_BATCH = 4 * 1024

NS = 16
LANES = 16
ROWS_PER_TILE = FULL_BATCH // NS
IDX_PER_TILE = FULL_BATCH * K // NS
BINS_PER_TILE = N_FEATURES // NS


def _sc_hist_body(kidx_hbm, fd_hbm, ai_hbm, par_hbm,
                  fd_out, ai_out,
                  idx2_v, idx_v, dep_v, fdw_v, cnt_v, ai_v, par_v, hist_s):
    sid = lax.axis_index("s")
    my_bins = pl.ds(sid * BINS_PER_TILE, BINS_PER_TILE)

    pltpu.sync_copy(kidx_hbm.at[pl.ds(sid * ROWS_PER_TILE, ROWS_PER_TILE), :],
                    idx2_v)
    pltpu.sync_copy(par_hbm, par_v)
    pltpu.sync_copy(fd_hbm.at[my_bins], fdw_v)
    pltpu.sync_copy(ai_hbm.at[my_bins], ai_v)
    par = par_v[...]
    wf = lax.broadcast_in_dim(par[0:1], (LANES,), (0,))
    dep = lax.broadcast_in_dim(par[1:2], (LANES,), (0,))

    def _fill(r, _):
        for u in range(K // LANES):
            c = pl.ds(u * LANES, LANES)
            idx_v[pl.ds(r * K + u * LANES, LANES)] = idx2_v[r, c]
            dep_v[pl.ds(r * K + u * LANES, LANES)] = dep
        return ()
    lax.fori_loop(0, ROWS_PER_TILE, _fill, ())

    def _scale(i, _):
        for u in range(4):
            s = pl.ds((i * 4 + u) * LANES, LANES)
            fdw_v[s] = fdw_v[s] * wf
        return ()
    lax.fori_loop(0, BINS_PER_TILE // LANES // 4, _scale, ())
    pltpu.sync_copy(fdw_v, hist_s.at[my_bins])
    plsc.subcore_barrier()

    pltpu.sync_copy(dep_v, hist_s.at[idx_v], add=True)
    plsc.subcore_barrier()

    pltpu.sync_copy(hist_s.at[my_bins], fd_out.at[my_bins])
    pltpu.sync_copy(hist_s.at[my_bins], cnt_v)

    def _upd(i, _):
        for u in range(4):
            s = pl.ds((i * 4 + u) * LANES, LANES)
            ai_v[s] = jnp.where(cnt_v[s] > fdw_v[s],
                                jnp.zeros((LANES,), jnp.float32),
                                ai_v[s] + 1.0)
        return ()
    lax.fori_loop(0, BINS_PER_TILE // LANES // 4, _upd, ())
    pltpu.sync_copy(ai_v, ai_out.at[my_bins])


def _sc_hist(kidx2, fd, ai, par16):
    mesh = plsc.VectorSubcoreMesh(core_axis_name="c", subcore_axis_name="s",
                                  num_cores=1)
    f = pl.kernel(
        _sc_hist_body,
        out_type=(jax.ShapeDtypeStruct((N_FEATURES,), jnp.float32),
                  jax.ShapeDtypeStruct((N_FEATURES,), jnp.float32)),
        mesh=mesh,
        scratch_types=(
            pltpu.VMEM((ROWS_PER_TILE, K), jnp.int32),
            pltpu.VMEM((IDX_PER_TILE,), jnp.int32),
            pltpu.VMEM((IDX_PER_TILE,), jnp.float32),
            pltpu.VMEM((BINS_PER_TILE,), jnp.float32),
            pltpu.VMEM((BINS_PER_TILE,), jnp.float32),
            pltpu.VMEM((BINS_PER_TILE,), jnp.float32),
            pltpu.VMEM((LANES,), jnp.float32),
            pltpu.VMEM_SHARED((N_FEATURES,), jnp.float32),
        ),
    )
    return f(kidx2, fd, ai, par16)


def _tc_norm_body(par_ref, x_ref, o_ref):
    i = pl.program_id(0)
    n = pl.num_programs(0)

    @pl.when(i == 0)
    def _():
        o_ref[...] = jnp.zeros((1, 1), jnp.float32)

    sq = jnp.sum(x_ref[...] * x_ref[...], axis=1)
    o_ref[...] += jnp.full((1, 1), jnp.sum(jnp.sqrt(sq)), jnp.float32)

    @pl.when(i == n - 1)
    def _():
        wf = par_ref[0]
        nwf = par_ref[2]
        an = par_ref[3]
        o_ref[...] = (an * wf
                      + o_ref[...] * (nwf / jnp.float32(FULL_BATCH)))


def _tc_norm(par1d, x):
    rows = 256
    grid = (x.shape[0] // rows,)
    return pl.pallas_call(
        _tc_norm_body,
        grid=grid,
        in_specs=[
            pl.BlockSpec((16,), lambda i: (0,)),
            pl.BlockSpec((rows, x.shape[1]), lambda i: (i, 0)),
        ],
        out_specs=pl.BlockSpec((1, 1), lambda i: (0, 0)),
        out_shape=jax.ShapeDtypeStruct((1, 1), jnp.float32),
        compiler_params=pltpu.CompilerParams(
            dimension_semantics=("arbitrary",)),
    )(par1d, x)


def kernel(x, k_indices, feature_density, activated_in, avg_norm, n_steps):
    ns = jnp.float32(n_steps)
    wf = ns / (ns + 1.0)
    nwf = 1.0 / (ns + 1.0)
    an = jnp.reshape(avg_norm, ())

    lane = lax.iota(jnp.int32, 16)
    par16 = jnp.where(
        lane == 0, wf,
        jnp.where(lane == 1, nwf / jnp.float32(FULL_BATCH),
                  jnp.where(lane == 2, nwf, an)))

    fd_out, ai_out = _sc_hist(k_indices, feature_density, activated_in, par16)
    norm_out = _tc_norm(par16, x)
    return (norm_out[0, 0], fd_out, ai_out)

# --- scband reference (transcript-rebuilt; emitter-appended) ---
"""Pipeline reference for scband-saeinfo-9835475107847 (READ-ONLY COPY).

The authoritative reference and input builder live on the scoring server;
editing this copy changes nothing except your own understanding.
"""

import jax, jax.numpy as jnp
import numpy as np
import math

N_FEATURES = 131072
D_MODEL = 2048
K = 64
FULL_BATCH = 4 * 1024  # batch_size * seq_len


def setup_inputs(seed: int = 0) -> dict:
    key = jax.random.key(seed)
    k1, k2, k3 = jax.random.split(key, 3)
    x = jax.random.normal(k1, (FULL_BATCH, D_MODEL), dtype=jnp.float32)
    k_indices = jax.random.randint(k2, (FULL_BATCH, K), 0, N_FEATURES, dtype=jnp.int32)
    feature_density = jax.random.uniform(k3, (N_FEATURES,), dtype=jnp.float32)
    activated_in = jnp.zeros((N_FEATURES,), dtype=jnp.float32)
    avg_norm = jnp.ones((1,), dtype=jnp.float32)
    n_steps = 100
    return {
        "x": x,
        "k_indices": k_indices,
        "feature_density": feature_density,
        "activated_in": activated_in,
        "avg_norm": avg_norm,
        "n_steps": n_steps,
    }


def reference(x, k_indices, feature_density, activated_in, avg_norm, n_steps):
    # Faithful translation of SAEInfo.step statistics update (histogram/feature-density part):
    #   weighting_factor, new_weighting_factor = n_steps/(n_steps+1), 1/(n_steps+1)
    an = jnp.reshape(avg_norm, ())
    ns = jnp.float32(n_steps)
    weighting_factor = ns / (ns + 1.0)
    new_weighting_factor = 1.0 / (ns + 1.0)
    # running average of activation norms
    new_avg_norm = jnp.mean(jnp.linalg.norm(x, axis=-1))
    updated_avg_norm = an * weighting_factor + new_avg_norm * new_weighting_factor
    # histogram of activated feature indices via scatter-add
    activations = jnp.zeros(feature_density.shape, dtype=jnp.float32).at[k_indices.flatten()].add(1.0)
    new_feature_density = activations / float(FULL_BATCH)
    updated_feature_density = feature_density * weighting_factor + new_feature_density * new_weighting_factor
    # dead-feature counter
    updated_activated_in = jnp.where(activations > 0, 0.0, activated_in + 1.0)
    return (updated_avg_norm, updated_feature_density, updated_activated_in)

if __name__ == "__main__":
    import jax
    _d = setup_inputs()
    print(jax.jit(kernel)(*tuple(_d.values())))

</pallas_src>

<mosaic_0001>
#map = affine_map<(d0, d1) -> (0, 0)>
#map1 = affine_map<(d0, d1) -> (0)>
module attributes {stable_mosaic.version = 14 : i64} {
  func.func @_sc_hist_body(%arg0: i32, %arg1: i32, %arg2: memref<4096x64xi32, #tpu.memory_space<hbm>>, %arg3: memref<131072xf32, #tpu.memory_space<hbm>>, %arg4: memref<131072xf32, #tpu.memory_space<hbm>>, %arg5: memref<16xf32, #tpu.memory_space<hbm>>, %arg6: memref<131072xf32, #tpu.memory_space<hbm>>, %arg7: memref<131072xf32, #tpu.memory_space<hbm>>, %arg8: memref<256x64xi32, #tpu.memory_space<vmem>>, %arg9: memref<16384xi32, #tpu.memory_space<vmem>>, %arg10: memref<16384xf32, #tpu.memory_space<vmem>>, %arg11: memref<8192xf32, #tpu.memory_space<vmem>>, %arg12: memref<8192xf32, #tpu.memory_space<vmem>>, %arg13: memref<8192xf32, #tpu.memory_space<vmem>>, %arg14: memref<16xf32, #tpu.memory_space<vmem>>, %arg15: memref<131072xf32, #tpu.memory_space<vmem_shared>>) attributes {dimension_semantics = [#tpu.dimension_semantics<core_parallel>, #tpu.dimension_semantics<subcore_parallel>], iteration_bounds = array<i64: 1, 16>, scalar_prefetch = 0 : i64, scratch_operands = 8 : i64, tpu.core_type = #tpu.core_type<sc_vector_subcore>, window_params = [{transform_indices = #map}, {transform_indices = #map1}, {transform_indices = #map1}, {transform_indices = #map1}, {transform_indices = #map1}, {transform_indices = #map1}]} {
    %mul3A = arith.constant 8192 : i32
    %mul3A_0 = arith.muli %arg1, %mul3A : i32
    %mul3A_1 = arith.constant 256 : i32
    %mul3A_2 = arith.muli %arg1, %mul3A_1 : i32
    "tpu.region"() ({
      %run_scoped3A = tpu.sem_alloc : memref<!tpu.dma_semaphore, #tpu.memory_space<semaphore_mem>>
      %dma_start3A = arith.constant 0 : i32
      %dma_start3A_24 = tpu.memref_slice %arg2[%mul3A_2, %dma_start3A] : memref<4096x64xi32, #tpu.memory_space<hbm>> -> memref<256x64xi32, #tpu.memory_space<hbm>>
      %dma_start3A_25 = arith.constant 0 : i32
      %dma_start3A_26 = tpu.memref_slice %arg2[%mul3A_2, %dma_start3A_25] : memref<4096x64xi32, #tpu.memory_space<hbm>> -> memref<256x64xi32, #tpu.memory_space<hbm>>
      tpu.enqueue_dma source(%dma_start3A_26 : memref<256x64xi32, #tpu.memory_space<hbm>>) target(%arg8 : memref<256x64xi32, #tpu.memory_space<vmem>>) target_semaphore(%run_scoped3A : memref<!tpu.dma_semaphore, #tpu.memory_space<semaphore_mem>>)
      %dma_wait3A = arith.constant 0 : i32
      %dma_wait3A_27 = tpu.memref_slice %arg2[%mul3A_2, %dma_wait3A] : memref<4096x64xi32, #tpu.memory_space<hbm>> -> memref<256x64xi32, #tpu.memory_space<hbm>>
      %dma_wait3A_28 = arith.constant 0 : i32
      %dma_wait3A_29 = tpu.memref_slice %arg2[%mul3A_2, %dma_wait3A_28] : memref<4096x64xi32, #tpu.memory_space<hbm>> -> memref<256x64xi32, #tpu.memory_space<hbm>>
      tpu.wait_dma2 semaphore(%run_scoped3A : memref<!tpu.dma_semaphore, #tpu.memory_space<semaphore_mem>>) src(%dma_wait3A_29 : memref<256x64xi32, #tpu.memory_space<hbm>>) dst(%arg8 : memref<256x64xi32, #tpu.memory_space<vmem>>)
      tpu.yield
    }) : () -> ()
    "tpu.region"() ({
      %run_scoped3A = tpu.sem_alloc : memref<!tpu.dma_semaphore, #tpu.memory_space<semaphore_mem>>
      tpu.enqueue_dma source(%arg5 : memref<16xf32, #tpu.memory_space<hbm>>) target(%arg14 : memref<16xf32, #tpu.memory_space<vmem>>) target_semaphore(%run_scoped3A : memref<!tpu.dma_semaphore, #tpu.memory_space<semaphore_mem>>)
      tpu.wait_dma2 semaphore(%run_scoped3A : memref<!tpu.dma_semaphore, #tpu.memory_space<semaphore_mem>>) src(%arg5 : memref<16xf32, #tpu.memory_space<hbm>>) dst(%arg14 : memref<16xf32, #tpu.memory_space<vmem>>)
      tpu.yield
    }) : () -> ()
    "tpu.region"() ({
      %run_scoped3A = tpu.sem_alloc : memref<!tpu.dma_semaphore, #tpu.memory_space<semaphore_mem>>
      %dma_start3A = tpu.memref_slice %arg3[%mul3A_0] : memref<131072xf32, #tpu.memory_space<hbm>> -> memref<8192xf32, #tpu.memory_space<hbm>>
      %dma_start3A_24 = tpu.memref_slice %arg3[%mul3A_0] : memref<131072xf32, #tpu.memory_space<hbm>> -> memref<8192xf32, #tpu.memory_space<hbm>>
      tpu.enqueue_dma source(%dma_start3A_24 : memref<8192xf32, #tpu.memory_space<hbm>>) target(%arg11 : memref<8192xf32, #tpu.memory_space<vmem>>) target_semaphore(%run_scoped3A : memref<!tpu.dma_semaphore, #tpu.memory_space<semaphore_mem>>)
      %dma_wait3A = tpu.memref_slice %arg3[%mul3A_0] : memref<131072xf32, #tpu.memory_space<hbm>> -> memref<8192xf32, #tpu.memory_space<hbm>>
      %dma_wait3A_25 = tpu.memref_slice %arg3[%mul3A_0] : memref<131072xf32, #tpu.memory_space<hbm>> -> memref<8192xf32, #tpu.memory_space<hbm>>
      tpu.wait_dma2 semaphore(%run_scoped3A : memref<!tpu.dma_semaphore, #tpu.memory_space<semaphore_mem>>) src(%dma_wait3A_25 : memref<8192xf32, #tpu.memory_space<hbm>>) dst(%arg11 : memref<8192xf32, #tpu.memory_space<vmem>>)
      tpu.yield
    }) : () -> ()
    "tpu.region"() ({
      %run_scoped3A = tpu.sem_alloc : memref<!tpu.dma_semaphore, #tpu.memory_space<semaphore_mem>>
      %dma_start3A = tpu.memref_slice %arg4[%mul3A_0] : memref<131072xf32, #tpu.memory_space<hbm>> -> memref<8192xf32, #tpu.memory_space<hbm>>
      %dma_start3A_24 = tpu.memref_slice %arg4[%mul3A_0] : memref<131072xf32, #tpu.memory_space<hbm>> -> memref<8192xf32, #tpu.memory_space<hbm>>
      tpu.enqueue_dma source(%dma_start3A_24 : memref<8192xf32, #tpu.memory_space<hbm>>) target(%arg13 : memref<8192xf32, #tpu.memory_space<vmem>>) target_semaphore(%run_scoped3A : memref<!tpu.dma_semaphore, #tpu.memory_space<semaphore_mem>>)
      %dma_wait3A = tpu.memref_slice %arg4[%mul3A_0] : memref<131072xf32, #tpu.memory_space<hbm>> -> memref<8192xf32, #tpu.memory_space<hbm>>
      %dma_wait3A_25 = tpu.memref_slice %arg4[%mul3A_0] : memref<131072xf32, #tpu.memory_space<hbm>> -> memref<8192xf32, #tpu.memory_space<hbm>>
      tpu.wait_dma2 semaphore(%run_scoped3A : memref<!tpu.dma_semaphore, #tpu.memory_space<semaphore_mem>>) src(%dma_wait3A_25 : memref<8192xf32, #tpu.memory_space<hbm>>) dst(%arg13 : memref<8192xf32, #tpu.memory_space<vmem>>)
      tpu.yield
    }) : () -> ()
    %get3A = arith.constant 0 : index
    %get3A_3 = tpu.vector_load %arg14[%get3A] {strides = array<i32>} : memref<16xf32, #tpu.memory_space<vmem>>, vector<16xf32>,
    %get3A_4 = vector.shape_cast %get3A_3 : vector<16xf32> to vector<16xf32>
    %slice3A = vector.extract_strided_slice %get3A_4 {offsets = [0], sizes = [1], strides = [1]} : vector<16xf32> to vector<1xf32>
    %broadcast_in_dim3A = vector.shape_cast %slice3A : vector<1xf32> to vector<1xf32>
    %broadcast_in_dim3A_5 = vector.broadcast %broadcast_in_dim3A : vector<1xf32> to vector<16xf32>
    %slice3A_6 = vector.extract_strided_slice %get3A_4 {offsets = [1], sizes = [1], strides = [1]} : vector<16xf32> to vector<1xf32>
    %broadcast_in_dim3A_7 = vector.shape_cast %slice3A_6 : vector<1xf32> to vector<1xf32>
    %broadcast_in_dim3A_8 = vector.broadcast %broadcast_in_dim3A_7 : vector<1xf32> to vector<16xf32>
    %scan3A = arith.constant 0 : i32
    %scan3A_9 = arith.constant 256 : i32
    %scan3A_10 = arith.addi %scan3A, %scan3A_9 : i32
    %scan3A_11 = arith.constant 1 : i32
    scf.for %scan3A_24 = %scan3A to %scan3A_10 step %scan3A_11  : i32 {
      %get3A_25 = arith.index_cast %scan3A_24 : i32 to index
      %get3A_26 = arith.constant 0 : index
      %get3A_27 = tpu.vector_load %arg8[%get3A_25, %get3A_26] {strides = array<i32>} : memref<256x64xi32, #tpu.memory_space<vmem>>, vector<1x16xi32>,
      %get3A_28 = vector.shape_cast %get3A_27 : vector<1x16xi32> to vector<16xi32>
      %mul3A_29 = arith.constant 64 : i32
      %mul3A_30 = arith.muli %scan3A_24, %mul3A_29 : i32
      %add3A = arith.constant 0 : i32
      %add3A_31 = arith.addi %mul3A_30, %add3A : i32
      %swap3A = arith.index_cast %add3A_31 : i32 to index
      %swap3A_32 = tpu.vector_load %arg9[%swap3A] {strides = array<i32>} : memref<16384xi32, #tpu.memory_space<vmem>>, vector<16xi32>,
      %swap3A_33 = vector.shape_cast %swap3A_32 : vector<16xi32> to vector<16xi32>
      %swap3A_34 = vector.shape_cast %get3A_28 : vector<16xi32> to vector<16xi32>
      tpu.vector_store %arg9[%swap3A], %swap3A_34 {strides = array<i32>} : memref<16384xi32, #tpu.memory_space<vmem>>, vector<16xi32>,
      %mul3A_35 = arith.constant 64 : i32
      %mul3A_36 = arith.muli %scan3A_24, %mul3A_35 : i32
      %add3A_37 = arith.constant 0 : i32
      %add3A_38 = arith.addi %mul3A_36, %add3A_37 : i32
      %swap3A_39 = arith.index_cast %add3A_38 : i32 to index
      %swap3A_40 = tpu.vector_load %arg10[%swap3A_39] {strides = array<i32>} : memref<16384xf32, #tpu.memory_space<vmem>>, vector<16xf32>,
      %swap3A_41 = vector.shape_cast %swap3A_40 : vector<16xf32> to vector<16xf32>
      %swap3A_42 = vector.shape_cast %broadcast_in_dim3A_8 : vector<16xf32> to vector<16xf32>
      tpu.vector_store %arg10[%swap3A_39], %swap3A_42 {strides = array<i32>} : memref<16384xf32, #tpu.memory_space<vmem>>, vector<16xf32>,
      %get3A_43 = arith.index_cast %scan3A_24 : i32 to index
      %get3A_44 = arith.constant 16 : index
      %get3A_45 = tpu.vector_load %arg8[%get3A_43, %get3A_44] {strides = array<i32>} : memref<256x64xi32, #tpu.memory_space<vmem>>, vector<1x16xi32>,
      %get3A_46 = vector.shape_cast %get3A_45 : vector<1x16xi32> to vector<16xi32>
      %mul3A_47 = arith.constant 64 : i32
      %mul3A_48 = arith.muli %scan3A_24, %mul3A_47 : i32
      %add3A_49 = arith.constant 16 : i32
      %add3A_50 = arith.addi %mul3A_48, %add3A_49 : i32
      %swap3A_51 = arith.index_cast %add3A_50 : i32 to index
      %swap3A_52 = tpu.vector_load %arg9[%swap3A_51] {strides = array<i32>} : memref<16384xi32, #tpu.memory_space<vmem>>, vector<16xi32>,
      %swap3A_53 = vector.shape_cast %swap3A_52 : vector<16xi32> to vector<16xi32>
      %swap3A_54 = vector.shape_cast %get3A_46 : vector<16xi32> to vector<16xi32>
      tpu.vector_store %arg9[%swap3A_51], %swap3A_54 {strides = array<i32>} : memref<16384xi32, #tpu.memory_space<vmem>>, vector<16xi32>,
      %mul3A_55 = arith.constant 64 : i32
      %mul3A_56 = arith.muli %scan3A_24, %mul3A_55 : i32
      %add3A_57 = arith.constant 16 : i32
      %add3A_58 = arith.addi %mul3A_56, %add3A_57 : i32
      %swap3A_59 = arith.index_cast %add3A_58 : i32 to index
      %swap3A_60 = tpu.vector_load %arg10[%swap3A_59] {strides = array<i32>} : memref<16384xf32, #tpu.memory_space<vmem>>, vector<16xf32>,
      %swap3A_61 = vector.shape_cast %swap3A_60 : vector<16xf32> to vector<16xf32>
      %swap3A_62 = vector.shape_cast %broadcast_in_dim3A_8 : vector<16xf32> to vector<16xf32>
      tpu.vector_store %arg10[%swap3A_59], %swap3A_62 {strides = array<i32>} : memref<16384xf32, #tpu.memory_space<vmem>>, vector<16xf32>,
      %get3A_63 = arith.index_cast %scan3A_24 : i32 to index
      %get3A_64 = arith.constant 32 : index
      %get3A_65 = tpu.vector_load %arg8[%get3A_63, %get3A_64] {strides = array<i32>} : memref<256x64xi32, #tpu.memory_space<vmem>>, vector<1x16xi32>,
      %get3A_66 = vector.shape_cast %get3A_65 : vector<1x16xi32> to vector<16xi32>
      %mul3A_67 = arith.constant 64 : i32
      %mul3A_68 = arith.muli %scan3A_24, %mul3A_67 : i32
      %add3A_69 = arith.constant 32 : i32
      %add3A_70 = arith.addi %mul3A_68, %add3A_69 : i32
      %swap3A_71 = arith.index_cast %add3A_70 : i32 to index
      %swap3A_72 = tpu.vector_load %arg9[%swap3A_71] {strides = array<i32>} : memref<16384xi32, #tpu.memory_space<vmem>>, vector<16xi32>,
      %swap3A_73 = vector.shape_cast %swap3A_72 : vector<16xi32> to vector<16xi32>
      %swap3A_74 = vector.shape_cast %get3A_66 : vector<16xi32> to vector<16xi32>
      tpu.vector_store %arg9[%swap3A_71], %swap3A_74 {strides = array<i32>} : memref<16384xi32, #tpu.memory_space<vmem>>, vector<16xi32>,
      %mul3A_75 = arith.constant 64 : i32
      %mul3A_76 = arith.muli %scan3A_24, %mul3A_75 : i32
      %add3A_77 = arith.constant 32 : i32
      %add3A_78 = arith.addi %mul3A_76, %add3A_77 : i32
      %swap3A_79 = arith.index_cast %add3A_78 : i32 to index
      %swap3A_80 = tpu.vector_load %arg10[%swap3A_79] {strides = array<i32>} : memref<16384xf32, #tpu.memory_space<vmem>>, vector<16xf32>,
      %swap3A_81 = vector.shape_cast %swap3A_80 : vector<16xf32> to vector<16xf32>
      %swap3A_82 = vector.shape_cast %broadcast_in_dim3A_8 : vector<16xf32> to vector<16xf32>
      tpu.vector_store %arg10[%swap3A_79], %swap3A_82 {strides = array<i32>} : memref<16384xf32, #tpu.memory_space<vmem>>, vector<16xf32>,
      %get3A_83 = arith.index_cast %scan3A_24 : i32 to index
      %get3A_84 = arith.constant 48 : index
      %get3A_85 = tpu.vector_load %arg8[%get3A_83, %get3A_84] {strides = array<i32>} : memref<256x64xi32, #tpu.memory_space<vmem>>, vector<1x16xi32>,
      %get3A_86 = vector.shape_cast %get3A_85 : vector<1x16xi32> to vector<16xi32>
      %mul3A_87 = arith.constant 64 : i32
      %mul3A_88 = arith.muli %scan3A_24, %mul3A_87 : i32
      %add3A_89 = arith.constant 48 : i32
      %add3A_90 = arith.addi %mul3A_88, %add3A_89 : i32
      %swap3A_91 = arith.index_cast %add3A_90 : i32 to index
      %swap3A_92 = tpu.vector_load %arg9[%swap3A_91] {strides = array<i32>} : memref<16384xi32, #tpu.memory_space<vmem>>, vector<16xi32>,
      %swap3A_93 = vector.shape_cast %swap3A_92 : vector<16xi32> to vector<16xi32>
      %swap3A_94 = vector.shape_cast %get3A_86 : vector<16xi32> to vector<16xi32>
      tpu.vector_store %arg9[%swap3A_91], %swap3A_94 {strides = array<i32>} : memref<16384xi32, #tpu.memory_space<vmem>>, vector<16xi32>,
      %mul3A_95 = arith.constant 64 : i32
      %mul3A_96 = arith.muli %scan3A_24, %mul3A_95 : i32
      %add3A_97 = arith.constant 48 : i32
      %add3A_98 = arith.addi %mul3A_96, %add3A_97 : i32
      %swap3A_99 = arith.index_cast %add3A_98 : i32 to index
      %swap3A_100 = tpu.vector_load %arg10[%swap3A_99] {strides = array<i32>} : memref<16384xf32, #tpu.memory_space<vmem>>, vector<16xf32>,
      %swap3A_101 = vector.shape_cast %swap3A_100 : vector<16xf32> to vector<16xf32>
      %swap3A_102 = vector.shape_cast %broadcast_in_dim3A_8 : vector<16xf32> to vector<16xf32>
      tpu.vector_store %arg10[%swap3A_99], %swap3A_102 {strides = array<i32>} : memref<16384xf32, #tpu.memory_space<vmem>>, vector<16xf32>,
    }
    %scan3A_12 = arith.constant 256 : i32
    %scan3A_13 = arith.constant 0 : i32
    %scan3A_14 = arith.constant 128 : i32
    %scan3A_15 = arith.addi %scan3A_13, %scan3A_14 : i32
    %scan3A_16 = arith.constant 1 : i32
    scf.for %scan3A_24 = %scan3A_13 to %scan3A_15 step %scan3A_16  : i32 {
      %mul3A_25 = arith.constant 4 : i32
      %mul3A_26 = arith.muli %scan3A_24, %mul3A_25 : i32
      %add3A = arith.constant 0 : i32
      %add3A_27 = arith.addi %mul3A_26, %add3A : i32
      %mul3A_28 = arith.constant 16 : i32
      %mul3A_29 = arith.muli %add3A_27, %mul3A_28 : i32
      %get3A_30 = arith.index_cast %mul3A_29 : i32 to index
      %get3A_31 = tpu.vector_load %arg11[%get3A_30] {strides = array<i32>} : memref<8192xf32, #tpu.memory_space<vmem>>, vector<16xf32>,
      %get3A_32 = vector.shape_cast %get3A_31 : vector<16xf32> to vector<16xf32>
      %mul3A_33 = arith.mulf %get3A_32, %broadcast_in_dim3A_5 : vector<16xf32>
      %swap3A = arith.index_cast %mul3A_29 : i32 to index
      %swap3A_34 = tpu.vector_load %arg11[%swap3A] {strides = array<i32>} : memref<8192xf32, #tpu.memory_space<vmem>>, vector<16xf32>,
      %swap3A_35 = vector.shape_cast %swap3A_34 : vector<16xf32> to vector<16xf32>
      %swap3A_36 = vector.shape_cast %mul3A_33 : vector<16xf32> to vector<16xf32>
      tpu.vector_store %arg11[%swap3A], %swap3A_36 {strides = array<i32>} : memref<8192xf32, #tpu.memory_space<vmem>>, vector<16xf32>,
      %mul3A_37 = arith.constant 4 : i32
      %mul3A_38 = arith.muli %scan3A_24, %mul3A_37 : i32
      %add3A_39 = arith.constant 1 : i32
      %add3A_40 = arith.addi %mul3A_38, %add3A_39 : i32
      %mul3A_41 = arith.constant 16 : i32
      %mul3A_42 = arith.muli %add3A_40, %mul3A_41 : i32
      %get3A_43 = arith.index_cast %mul3A_42 : i32 to index
      %get3A_44 = tpu.vector_load %arg11[%get3A_43] {strides = array<i32>} : memref<8192xf32, #tpu.memory_space<vmem>>, vector<16xf32>,
      %get3A_45 = vector.shape_cast %get3A_44 : vector<16xf32> to vector<16xf32>
      %mul3A_46 = arith.mulf %get3A_45, %broadcast_in_dim3A_5 : vector<16xf32>
      %swap3A_47 = arith.index_cast %mul3A_42 : i32 to index
      %swap3A_48 = tpu.vector_load %arg11[%swap3A_47] {strides = array<i32>} : memref<8192xf32, #tpu.memory_space<vmem>>, vector<16xf32>,
      %swap3A_49 = vector.shape_cast %swap3A_48 : vector<16xf32> to vector<16xf32>
      %swap3A_50 = vector.shape_cast %mul3A_46 : vector<16xf32> to vector<16xf32>
      tpu.vector_store %arg11[%swap3A_47], %swap3A_50 {strides = array<i32>} : memref<8192xf32, #tpu.memory_space<vmem>>, vector<16xf32>,
      %mul3A_51 = arith.constant 4 : i32
      %mul3A_52 = arith.muli %scan3A_24, %mul3A_51 : i32
      %add3A_53 = arith.constant 2 : i32
      %add3A_54 = arith.addi %mul3A_52, %add3A_53 : i32
      %mul3A_55 = arith.constant 16 : i32
      %mul3A_56 = arith.muli %add3A_54, %mul3A_55 : i32
      %get3A_57 = arith.index_cast %mul3A_56 : i32 to index
      %get3A_58 = tpu.vector_load %arg11[%get3A_57] {strides = array<i32>} : memref<8192xf32, #tpu.memory_space<vmem>>, vector<16xf32>,
      %get3A_59 = vector.shape_cast %get3A_58 : vector<16xf32> to vector<16xf32>
      %mul3A_60 = arith.mulf %get3A_59, %broadcast_in_dim3A_5 : vector<16xf32>
      %swap3A_61 = arith.index_cast %mul3A_56 : i32 to index
      %swap3A_62 = tpu.vector_load %arg11[%swap3A_61] {strides = array<i32>} : memref<8192xf32, #tpu.memory_space<vmem>>, vector<16xf32>,
      %swap3A_63 = vector.shape_cast %swap3A_62 : vector<16xf32> to vector<16xf32>
      %swap3A_64 = vector.shape_cast %mul3A_60 : vector<16xf32> to vector<16xf32>
      tpu.vector_store %arg11[%swap3A_61], %swap3A_64 {strides = array<i32>} : memref<8192xf32, #tpu.memory_space<vmem>>, vector<16xf32>,
      %mul3A_65 = arith.constant 4 : i32
      %mul3A_66 = arith.muli %scan3A_24, %mul3A_65 : i32
      %add3A_67 = arith.constant 3 : i32
      %add3A_68 = arith.addi %mul3A_66, %add3A_67 : i32
      %mul3A_69 = arith.constant 16 : i32
      %mul3A_70 = arith.muli %add3A_68, %mul3A_69 : i32
      %get3A_71 = arith.index_cast %mul3A_70 : i32 to index
      %get3A_72 = tpu.vector_load %arg11[%get3A_71] {strides = array<i32>} : memref<8192xf32, #tpu.memory_space<vmem>>, vector<16xf32>,
      %get3A_73 = vector.shape_cast %get3A_72 : vector<16xf32> to vector<16xf32>
      %mul3A_74 = arith.mulf %get3A_73, %broadcast_in_dim3A_5 : vector<16xf32>
      %swap3A_75 = arith.index_cast %mul3A_70 : i32 to index
      %swap3A_76 = tpu.vector_load %arg11[%swap3A_75] {strides = array<i32>} : memref<8192xf32, #tpu.memory_space<vmem>>, vector<16xf32>,
      %swap3A_77 = vector.shape_cast %swap3A_76 : vector<16xf32> to vector<16xf32>
      %swap3A_78 = vector.shape_cast %mul3A_74 : vector<16xf32> to vector<16xf32>
      tpu.vector_store %arg11[%swap3A_75], %swap3A_78 {strides = array<i32>} : memref<8192xf32, #tpu.memory_space<vmem>>, vector<16xf32>,
    }
    %scan3A_17 = arith.constant 128 : i32
    "tpu.region"() ({
      %run_scoped3A = tpu.sem_alloc : memref<!tpu.dma_semaphore, #tpu.memory_space<semaphore_mem>>
      %dma_start3A = tpu.memref_slice %arg15[%mul3A_0] : memref<131072xf32, #tpu.memory_space<vmem_shared>> -> memref<8192xf32, #tpu.memory_space<vmem_shared>>
      %dma_start3A_24 = tpu.memref_slice %arg15[%mul3A_0] : memref<131072xf32, #tpu.memory_space<vmem_shared>> -> memref<8192xf32, #tpu.memory_space<vmem_shared>>
      tpu.enqueue_dma source(%arg11 : memref<8192xf32, #tpu.memory_space<vmem>>) target(%dma_start3A_24 : memref<8192xf32, #tpu.memory_space<vmem_shared>>) target_semaphore(%run_scoped3A : memref<!tpu.dma_semaphore, #tpu.memory_space<semaphore_mem>>)
      %dma_wait3A = tpu.memref_slice %arg15[%mul3A_0] : memref<131072xf32, #tpu.memory_space<vmem_shared>> -> memref<8192xf32, #tpu.memory_space<vmem_shared>>
      %dma_wait3A_25 = tpu.memref_slice %arg15[%mul3A_0] : memref<131072xf32, #tpu.memory_space<vmem_shared>> -> memref<8192xf32, #tpu.memory_space<vmem_shared>>
      tpu.wait_dma2 semaphore(%run_scoped3A : memref<!tpu.dma_semaphore, #tpu.memory_space<semaphore_mem>>) src(%arg11 : memref<8192xf32, #tpu.memory_space<vmem>>) dst(%dma_wait3A_25 : memref<8192xf32, #tpu.memory_space<vmem_shared>>)
      tpu.yield
    }) : () -> ()
    %barrier3A = arith.constant 0 : index
    tpu.barrier barrier_id(%barrier3A)
    "tpu.region"() ({
      %run_scoped3A = tpu.sem_alloc : memref<!tpu.dma_semaphore, #tpu.memory_space<semaphore_mem>>
      %dma_start3A = arith.constant 0 : i32
      %dma_start3A_24 = tpu.memref_slice %arg15[%dma_start3A] : memref<131072xf32, #tpu.memory_space<vmem_shared>> -> memref<131072xf32, #tpu.memory_space<vmem_shared>>
      tpu.enqueue_indirect_dma source(%arg10 : memref<16384xf32, #tpu.memory_space<vmem>>) target(%dma_start3A_24 : memref<131072xf32, #tpu.memory_space<vmem_shared>>) offsets(%arg9 : memref<16384xi32, #tpu.memory_space<vmem>>) semaphore(%run_scoped3A : memref<!tpu.dma_semaphore, #tpu.memory_space<semaphore_mem>>) {add = true}
      %dma_wait3A = arith.constant 0 : i32
      %dma_wait3A_25 = tpu.memref_slice %arg15[%dma_wait3A] : memref<131072xf32, #tpu.memory_space<vmem_shared>> -> memref<131072xf32, #tpu.memory_space<vmem_shared>>
      tpu.wait_indirect_dma semaphore(%run_scoped3A : memref<!tpu.dma_semaphore, #tpu.memory_space<semaphore_mem>>) src(%arg10 : memref<16384xf32, #tpu.memory_space<vmem>>) dst(%dma_wait3A_25 : memref<131072xf32, #tpu.memory_space<vmem_shared>>)
      tpu.yield
    }) : () -> ()
    %barrier3A_18 = arith.constant 0 : index
    tpu.barrier barrier_id(%barrier3A_18)
    "tpu.region"() ({
      %run_scoped3A = tpu.sem_alloc : memref<!tpu.dma_semaphore, #tpu.memory_space<semaphore_mem>>
      %dma_start3A = tpu.memref_slice %arg6[%mul3A_0] : memref<131072xf32, #tpu.memory_space<hbm>> -> memref<8192xf32, #tpu.memory_space<hbm>>
      %dma_start3A_24 = tpu.memref_slice %arg15[%mul3A_0] : memref<131072xf32, #tpu.memory_space<vmem_shared>> -> memref<8192xf32, #tpu.memory_space<vmem_shared>>
      tpu.enqueue_dma source(%dma_start3A_24 : memref<8192xf32, #tpu.memory_space<vmem_shared>>) target(%dma_start3A : memref<8192xf32, #tpu.memory_space<hbm>>) target_semaphore(%run_scoped3A : memref<!tpu.dma_semaphore, #tpu.memory_space<semaphore_mem>>)
      %dma_wait3A = tpu.memref_slice %arg6[%mul3A_0] : memref<131072xf32, #tpu.memory_space<hbm>> -> memref<8192xf32, #tpu.memory_space<hbm>>
      %dma_wait3A_25 = tpu.memref_slice %arg15[%mul3A_0] : memref<131072xf32, #tpu.memory_space<vmem_shared>> -> memref<8192xf32, #tpu.memory_space<vmem_shared>>
      tpu.wait_dma2 semaphore(%run_scoped3A : memref<!tpu.dma_semaphore, #tpu.memory_space<semaphore_mem>>) src(%dma_wait3A_25 : memref<8192xf32, #tpu.memory_space<vmem_shared>>) dst(%dma_wait3A : memref<8192xf32, #tpu.memory_space<hbm>>)
      tpu.yield
    }) : () -> ()
    "tpu.region"() ({
      %run_scoped3A = tpu.sem_alloc : memref<!tpu.dma_semaphore, #tpu.memory_space<semaphore_mem>>
      %dma_start3A = tpu.memref_slice %arg15[%mul3A_0] : memref<131072xf32, #tpu.memory_space<vmem_shared>> -> memref<8192xf32, #tpu.memory_space<vmem_shared>>
      %dma_start3A_24 = tpu.memref_slice %arg15[%mul3A_0] : memref<131072xf32, #tpu.memory_space<vmem_shared>> -> memref<8192xf32, #tpu.memory_space<vmem_shared>>
      tpu.enqueue_dma source(%dma_start3A_24 : memref<8192xf32, #tpu.memory_space<vmem_shared>>) target(%arg12 : memref<8192xf32, #tpu.memory_space<vmem>>) target_semaphore(%run_scoped3A : memref<!tpu.dma_semaphore, #tpu.memory_space<semaphore_mem>>)
      %dma_wait3A = tpu.memref_slice %arg15[%mul3A_0] : memref<131072xf32, #tpu.memory_space<vmem_shared>> -> memref<8192xf32, #tpu.memory_space<vmem_shared>>
      %dma_wait3A_25 = tpu.memref_slice %arg15[%mul3A_0] : memref<131072xf32, #tpu.memory_space<vmem_shared>> -> memref<8192xf32, #tpu.memory_space<vmem_shared>>
      tpu.wait_dma2 semaphore(%run_scoped3A : memref<!tpu.dma_semaphore, #tpu.memory_space<semaphore_mem>>) src(%dma_wait3A_25 : memref<8192xf32, #tpu.memory_space<vmem_shared>>) dst(%arg12 : memref<8192xf32, #tpu.memory_space<vmem>>)
      tpu.yield
    }) : () -> ()
    %scan3A_19 = arith.constant 0 : i32
    %scan3A_20 = arith.constant 128 : i32
    %scan3A_21 = arith.addi %scan3A_19, %scan3A_20 : i32
    %scan3A_22 = arith.constant 1 : i32
    scf.for %scan3A_24 = %scan3A_19 to %scan3A_21 step %scan3A_22  : i32 {
      %mul3A_25 = arith.constant 4 : i32
      %mul3A_26 = arith.muli %scan3A_24, %mul3A_25 : i32
      %add3A = arith.constant 0 : i32
      %add3A_27 = arith.addi %mul3A_26, %add3A : i32
      %mul3A_28 = arith.constant 16 : i32
      %mul3A_29 = arith.muli %add3A_27, %mul3A_28 : i32
      %get3A_30 = arith.index_cast %mul3A_29 : i32 to index
      %get3A_31 = tpu.vector_load %arg12[%get3A_30] {strides = array<i32>} : memref<8192xf32, #tpu.memory_space<vmem>>, vector<16xf32>,
      %get3A_32 = vector.shape_cast %get3A_31 : vector<16xf32> to vector<16xf32>
      %get3A_33 = arith.index_cast %mul3A_29 : i32 to index
      %get3A_34 = tpu.vector_load %arg11[%get3A_33] {strides = array<i32>} : memref<8192xf32, #tpu.memory_space<vmem>>, vector<16xf32>,
      %get3A_35 = vector.shape_cast %get3A_34 : vector<16xf32> to vector<16xf32>
      %gt3A = arith.cmpf ogt, %get3A_32, %get3A_35 : vector<16xf32>
      %broadcast_in_dim3A_36 = arith.constant 0.000000e+00 : f32
      %broadcast_in_dim3A_37 = vector.broadcast %broadcast_in_dim3A_36 : f32 to vector<16xf32>
      %get3A_38 = arith.index_cast %mul3A_29 : i32 to index
      %get3A_39 = tpu.vector_load %arg13[%get3A_38] {strides = array<i32>} : memref<8192xf32, #tpu.memory_space<vmem>>, vector<16xf32>,
      %get3A_40 = vector.shape_cast %get3A_39 : vector<16xf32> to vector<16xf32>
      %add3A_41 = arith.constant 1.000000e+00 : f32
      %add3A_42 = vector.broadcast %add3A_41 : f32 to vector<16xf32>
      %add3A_43 = arith.addf %get3A_40, %add3A_42 : vector<16xf32>
      %select_n3A = arith.select %gt3A, %broadcast_in_dim3A_37, %add3A_43 : vector<16xi1>, vector<16xf32>
      %swap3A = arith.index_cast %mul3A_29 : i32 to index
      %swap3A_44 = tpu.vector_load %arg13[%swap3A] {strides = array<i32>} : memref<8192xf32, #tpu.memory_space<vmem>>, vector<16xf32>,
      %swap3A_45 = vector.shape_cast %swap3A_44 : vector<16xf32> to vector<16xf32>
      %swap3A_46 = vector.shape_cast %select_n3A : vector<16xf32> to vector<16xf32>
      tpu.vector_store %arg13[%swap3A], %swap3A_46 {strides = array<i32>} : memref<8192xf32, #tpu.memory_space<vmem>>, vector<16xf32>,
      %mul3A_47 = arith.constant 4 : i32
      %mul3A_48 = arith.muli %scan3A_24, %mul3A_47 : i32
      %add3A_49 = arith.constant 1 : i32
      %add3A_50 = arith.addi %mul3A_48, %add3A_49 : i32
      %mul3A_51 = arith.constant 16 : i32
      %mul3A_52 = arith.muli %add3A_50, %mul3A_51 : i32
      %get3A_53 = arith.index_cast %mul3A_52 : i32 to index
      %get3A_54 = tpu.vector_load %arg12[%get3A_53] {strides = array<i32>} : memref<8192xf32, #tpu.memory_space<vmem>>, vector<16xf32>,
      %get3A_55 = vector.shape_cast %get3A_54 : vector<16xf32> to vector<16xf32>
      %get3A_56 = arith.index_cast %mul3A_52 : i32 to index
      %get3A_57 = tpu.vector_load %arg11[%get3A_56] {strides = array<i32>} : memref<8192xf32, #tpu.memory_space<vmem>>, vector<16xf32>,
      %get3A_58 = vector.shape_cast %get3A_57 : vector<16xf32> to vector<16xf32>
      %gt3A_59 = arith.cmpf ogt, %get3A_55, %get3A_58 : vector<16xf32>
      %broadcast_in_dim3A_60 = arith.constant 0.000000e+00 : f32
      %broadcast_in_dim3A_61 = vector.broadcast %broadcast_in_dim3A_60 : f32 to vector<16xf32>
      %get3A_62 = arith.index_cast %mul3A_52 : i32 to index
      %get3A_63 = tpu.vector_load %arg13[%get3A_62] {strides = array<i32>} : memref<8192xf32, #tpu.memory_space<vmem>>, vector<16xf32>,
      %get3A_64 = vector.shape_cast %get3A_63 : vector<16xf32> to vector<16xf32>
      %add3A_65 = arith.constant 1.000000e+00 : f32
      %add3A_66 = vector.broadcast %add3A_65 : f32 to vector<16xf32>
      %add3A_67 = arith.addf %get3A_64, %add3A_66 : vector<16xf32>
      %select_n3A_68 = arith.select %gt3A_59, %broadcast_in_dim3A_61, %add3A_67 : vector<16xi1>, vector<16xf32>
      %swap3A_69 = arith.index_cast %mul3A_52 : i32 to index
      %swap3A_70 = tpu.vector_load %arg13[%swap3A_69] {strides = array<i32>} : memref<8192xf32, #tpu.memory_space<vmem>>, vector<16xf32>,
      %swap3A_71 = vector.shape_cast %swap3A_70 : vector<16xf32> to vector<16xf32>
      %swap3A_72 = vector.shape_cast %select_n3A_68 : vector<16xf32> to vector<16xf32>
      tpu.vector_store %arg13[%swap3A_69], %swap3A_72 {strides = array<i32>} : memref<8192xf32, #tpu.memory_space<vmem>>, vector<16xf32>,
      %mul3A_73 = arith.constant 4 : i32
      %mul3A_74 = arith.muli %scan3A_24, %mul3A_73 : i32
      %add3A_75 = arith.constant 2 : i32
      %add3A_76 = arith.addi %mul3A_74, %add3A_75 : i32
      %mul3A_77 = arith.constant 16 : i32
      %mul3A_78 = arith.muli %add3A_76, %mul3A_77 : i32
      %get3A_79 = arith.index_cast %mul3A_78 : i32 to index
      %get3A_80 = tpu.vector_load %arg12[%get3A_79] {strides = array<i32>} : memref<8192xf32, #tpu.memory_space<vmem>>, vector<16xf32>,
      %get3A_81 = vector.shape_cast %get3A_80 : vector<16xf32> to vector<16xf32>
      %get3A_82 = arith.index_cast %mul3A_78 : i32 to index
      %get3A_83 = tpu.vector_load %arg11[%get3A_82] {strides = array<i32>} : memref<8192xf32, #tpu.memory_space<vmem>>, vector<16xf32>,
      %get3A_84 = vector.shape_cast %get3A_83 : vector<16xf32> to vector<16xf32>
      %gt3A_85 = arith.cmpf ogt, %get3A_81, %get3A_84 : vector<16xf32>
      %broadcast_in_dim3A_86 = arith.constant 0.000000e+00 : f32
      %broadcast_in_dim3A_87 = vector.broadcast %broadcast_in_dim3A_86 : f32 to vector<16xf32>
      %get3A_88 = arith.index_cast %mul3A_78 : i32 to index
      %get3A_89 = tpu.vector_load %arg13[%get3A_88] {strides = array<i32>} : memref<8192xf32, #tpu.memory_space<vmem>>, vector<16xf32>,
      %get3A_90 = vector.shape_cast %get3A_89 : vector<16xf32> to vector<16xf32>
      %add3A_91 = arith.constant 1.000000e+00 : f32
      %add3A_92 = vector.broadcast %add3A_91 : f32 to vector<16xf32>
      %add3A_93 = arith.addf %get3A_90, %add3A_92 : vector<16xf32>
      %select_n3A_94 = arith.select %gt3A_85, %broadcast_in_dim3A_87, %add3A_93 : vector<16xi1>, vector<16xf32>
      %swap3A_95 = arith.index_cast %mul3A_78 : i32 to index
      %swap3A_96 = tpu.vector_load %arg13[%swap3A_95] {strides = array<i32>} : memref<8192xf32, #tpu.memory_space<vmem>>, vector<16xf32>,
      %swap3A_97 = vector.shape_cast %swap3A_96 : vector<16xf32> to vector<16xf32>
      %swap3A_98 = vector.shape_cast %select_n3A_94 : vector<16xf32> to vector<16xf32>
      tpu.vector_store %arg13[%swap3A_95], %swap3A_98 {strides = array<i32>} : memref<8192xf32, #tpu.memory_space<vmem>>, vector<16xf32>,
      %mul3A_99 = arith.constant 4 : i32
      %mul3A_100 = arith.muli %scan3A_24, %mul3A_99 : i32
      %add3A_101 = arith.constant 3 : i32
      %add3A_102 = arith.addi %mul3A_100, %add3A_101 : i32
      %mul3A_103 = arith.constant 16 : i32
      %mul3A_104 = arith.muli %add3A_102, %mul3A_103 : i32
      %get3A_105 = arith.index_cast %mul3A_104 : i32 to index
      %get3A_106 = tpu.vector_load %arg12[%get3A_105] {strides = array<i32>} : memref<8192xf32, #tpu.memory_space<vmem>>, vector<16xf32>,
      %get3A_107 = vector.shape_cast %get3A_106 : vector<16xf32> to vector<16xf32>
      %get3A_108 = arith.index_cast %mul3A_104 : i32 to index
      %get3A_109 = tpu.vector_load %arg11[%get3A_108] {strides = array<i32>} : memref<8192xf32, #tpu.memory_space<vmem>>, vector<16xf32>,
      %get3A_110 = vector.shape_cast %get3A_109 : vector<16xf32> to vector<16xf32>
      %gt3A_111 = arith.cmpf ogt, %get3A_107, %get3A_110 : vector<16xf32>
      %broadcast_in_dim3A_112 = arith.constant 0.000000e+00 : f32
      %broadcast_in_dim3A_113 = vector.broadcast %broadcast_in_dim3A_112 : f32 to vector<16xf32>
      %get3A_114 = arith.index_cast %mul3A_104 : i32 to index
      %get3A_115 = tpu.vector_load %arg13[%get3A_114] {strides = array<i32>} : memref<8192xf32, #tpu.memory_space<vmem>>, vector<16xf32>,
      %get3A_116 = vector.shape_cast %get3A_115 : vector<16xf32> to vector<16xf32>
      %add3A_117 = arith.constant 1.000000e+00 : f32
      %add3A_118 = vector.broadcast %add3A_117 : f32 to vector<16xf32>
      %add3A_119 = arith.addf %get3A_116, %add3A_118 : vector<16xf32>
      %select_n3A_120 = arith.select %gt3A_111, %broadcast_in_dim3A_113, %add3A_119 : vector<16xi1>, vector<16xf32>
      %swap3A_121 = arith.index_cast %mul3A_104 : i32 to index
      %swap3A_122 = tpu.vector_load %arg13[%swap3A_121] {strides = array<i32>} : memref<8192xf32, #tpu.memory_space<vmem>>, vector<16xf32>,
      %swap3A_123 = vector.shape_cast %swap3A_122 : vector<16xf32> to vector<16xf32>
      %swap3A_124 = vector.shape_cast %select_n3A_120 : vector<16xf32> to vector<16xf32>
      tpu.vector_store %arg13[%swap3A_121], %swap3A_124 {strides = array<i32>} : memref<8192xf32, #tpu.memory_space<vmem>>, vector<16xf32>,
    }
    %scan3A_23 = arith.constant 128 : i32
    "tpu.region"() ({
      %run_scoped3A = tpu.sem_alloc : memref<!tpu.dma_semaphore, #tpu.memory_space<semaphore_mem>>
      %dma_start3A = tpu.memref_slice %arg7[%mul3A_0] : memref<131072xf32, #tpu.memory_space<hbm>> -> memref<8192xf32, #tpu.memory_space<hbm>>
      %dma_start3A_24 = tpu.memref_slice %arg7[%mul3A_0] : memref<131072xf32, #tpu.memory_space<hbm>> -> memref<8192xf32, #tpu.memory_space<hbm>>
      tpu.enqueue_dma source(%arg13 : memref<8192xf32, #tpu.memory_space<vmem>>) target(%dma_start3A_24 : memref<8192xf32, #tpu.memory_space<hbm>>) target_semaphore(%run_scoped3A : memref<!tpu.dma_semaphore, #tpu.memory_space<semaphore_mem>>)
      %dma_wait3A = tpu.memref_slice %arg7[%mul3A_0] : memref<131072xf32, #tpu.memory_space<hbm>> -> memref<8192xf32, #tpu.memory_space<hbm>>
      %dma_wait3A_25 = tpu.memref_slice %arg7[%mul3A_0] : memref<131072xf32, #tpu.memory_space<hbm>> -> memref<8192xf32, #tpu.memory_space<hbm>>
      tpu.wait_dma2 semaphore(%run_scoped3A : memref<!tpu.dma_semaphore, #tpu.memory_space<semaphore_mem>>) src(%arg13 : memref<8192xf32, #tpu.memory_space<vmem>>) dst(%dma_wait3A_25 : memref<8192xf32, #tpu.memory_space<hbm>>)
      tpu.yield
    }) : () -> ()
    return
  }
}

module attributes {stable_mosaic.version = 14 : i64} {
  func.func @_tc_norm_body(%arg0: i32, %arg1: memref<16xf32, #tpu.memory_space<vmem>>, %arg2: memref<256x2048xf32, #tpu.memory_space<vmem>>, %arg3: memref<1x1xf32, #tpu.memory_space<vmem>>) attributes {dimension_semantics = [#tpu.dimension_semantics<arbitrary>], iteration_bounds = array<i64: 16>, scalar_prefetch = 0 : i64, scratch_operands = 0 : i64, tpu.core_type = #tpu.core_type<tc>, window_params = [{pipeline_mode = #tpu.pipeline_mode<synchronous>, transform_indices = @transform_0, window_bounds = array<i64: 16>}, {transform_indices = @transform_1, window_bounds = array<i64: 256, 2048>}, {pipeline_mode = #tpu.pipeline_mode<synchronous>, transform_indices = @transform_2, window_bounds = array<i64: 1, 1>}]} {
    %eq3A = arith.constant 0 : i32
    %eq3A_0 = arith.cmpi eq, %arg0, %eq3A : i32
    %convert_element_type3A = arith.extui %eq3A_0 : i1 to i32
    %cond3A = arith.constant 0 : i32
    %cond3A_1 = arith.cmpi ne, %convert_element_type3A, %cond3A : i32
    scf.if %cond3A_1 {
      %broadcast_in_dim3A_23 = arith.constant 0.000000e+00 : f32
      %broadcast_in_dim3A_24 = vector.broadcast %broadcast_in_dim3A_23 : f32 to vector<1x1xf32>
      %swap3A_25 = arith.constant 0 : index
      %swap3A_26 = arith.constant 0 : index
      %swap3A_27 = vector.load %arg3[%swap3A_25, %swap3A_26] : memref<1x1xf32, #tpu.memory_space<vmem>>, vector<1x1xf32>
      tpu.vector_store %arg3[%swap3A_25, %swap3A_26], %broadcast_in_dim3A_24 {strides = array<i32>} : memref<1x1xf32, #tpu.memory_space<vmem>>, vector<1x1xf32>,
    } else {
    }
    %get3A = arith.constant 0 : index
    %get3A_2 = arith.constant 0 : index
    %get3A_3 = vector.load %arg2[%get3A, %get3A_2] : memref<256x2048xf32, #tpu.memory_space<vmem>>, vector<256x2048xf32>
    %get3A_4 = arith.constant 0 : index
    %get3A_5 = arith.constant 0 : index
    %get3A_6 = vector.load %arg2[%get3A_4, %get3A_5] : memref<256x2048xf32, #tpu.memory_space<vmem>>, vector<256x2048xf32>
    %mul3A = arith.mulf %get3A_3, %get3A_6 : vector<256x2048xf32>
    %reduce_sum3A = arith.constant dense<0.000000e+00> : vector<256xf32>
    %reduce_sum3A_7 = vector.multi_reduction <add>, %mul3A, %reduce_sum3A [1] : vector<256x2048xf32> to vector<256xf32>
    %get3A_8 = arith.constant 0 : index
    %get3A_9 = arith.constant 0 : index
    %get3A_10 = vector.load %arg3[%get3A_8, %get3A_9] : memref<1x1xf32, #tpu.memory_space<vmem>>, vector<1x1xf32>
    %sqrt3A = math.sqrt %reduce_sum3A_7 : vector<256xf32>
    %reduce_sum3A_11 = vector.shape_cast %sqrt3A : vector<256xf32> to vector<1x256xf32>
    %reduce_sum3A_12 = arith.constant dense<0.000000e+00> : vector<1xf32>
    %reduce_sum3A_13 = vector.multi_reduction <add>, %reduce_sum3A_11, %reduce_sum3A_12 [1] : vector<1x256xf32> to vector<1xf32>
    %reduce_sum3A_14 = vector.shape_cast %reduce_sum3A_13 : vector<1xf32> to vector<1x1xf32>
    %reduce_sum3A_15 = vector.extract %reduce_sum3A_14[0, 0] : f32 from vector<1x1xf32>
    %broadcast_in_dim3A = vector.broadcast %reduce_sum3A_15 : f32 to vector<1x1xf32>
    %add3A = arith.addf %get3A_10, %broadcast_in_dim3A : vector<1x1xf32>
    %swap3A = arith.constant 0 : index
    %swap3A_16 = arith.constant 0 : index
    %swap3A_17 = vector.load %arg3[%swap3A, %swap3A_16] : memref<1x1xf32, #tpu.memory_space<vmem>>, vector<1x1xf32>
    tpu.vector_store %arg3[%swap3A, %swap3A_16], %add3A {strides = array<i32>} : memref<1x1xf32, #tpu.memory_space<vmem>>, vector<1x1xf32>,
    %eq3A_18 = arith.constant 15 : i32
    %eq3A_19 = arith.cmpi eq, %arg0, %eq3A_18 : i32
    %convert_element_type3A_20 = arith.extui %eq3A_19 : i1 to i32
    %cond3A_21 = arith.constant 0 : i32
    %cond3A_22 = arith.cmpi ne, %convert_element_type3A_20, %cond3A_21 : i32
    scf.if %cond3A_22 {
      %get3A_23 = arith.constant 0 : index
      %get3A_24 = vector.load %arg1[%get3A_23] : memref<16xf32, #tpu.memory_space<vmem>>, vector<1xf32>
      %get3A_25 = vector.extract %get3A_24[0] : f32 from vector<1xf32>
      %get3A_26 = arith.constant 2 : index
      %get3A_27 = vector.load %arg1[%get3A_26] : memref<16xf32, #tpu.memory_space<vmem>>, vector<1xf32>
      %get3A_28 = vector.extract %get3A_27[0] : f32 from vector<1xf32>
      %get3A_29 = arith.constant 3 : index
      %get3A_30 = vector.load %arg1[%get3A_29] : memref<16xf32, #tpu.memory_space<vmem>>, vector<1xf32>
      %get3A_31 = vector.extract %get3A_30[0] : f32 from vector<1xf32>
      %mul3A_32 = arith.mulf %get3A_31, %get3A_25 : f32
      %get3A_33 = arith.constant 0 : index
      %get3A_34 = arith.constant 0 : index
      %get3A_35 = vector.load %arg3[%get3A_33, %get3A_34] : memref<1x1xf32, #tpu.memory_space<vmem>>, vector<1x1xf32>
      %div3A = arith.constant 4.096000e+03 : f32
      %div3A_36 = arith.divf %get3A_28, %div3A : f32
      %mul3A_37 = vector.broadcast %div3A_36 : f32 to vector<1x1xf32>
      %mul3A_38 = arith.mulf %get3A_35, %mul3A_37 : vector<1x1xf32>
      %add3A_39 = vector.broadcast %mul3A_32 : f32 to vector<1x1xf32>
      %add3A_40 = arith.addf %add3A_39, %mul3A_38 : vector<1x1xf32>
      %swap3A_41 = arith.constant 0 : index
      %swap3A_42 = arith.constant 0 : index
      %swap3A_43 = vector.load %arg3[%swap3A_41, %swap3A_42] : memref<1x1xf32, #tpu.memory_space<vmem>>, vector<1x1xf32>
      tpu.vector_store %arg3[%swap3A_41, %swap3A_42], %add3A_40 {strides = array<i32>} : memref<1x1xf32, #tpu.memory_space<vmem>>, vector<1x1xf32>,
    } else {
    }
    return
  }
  func.func @transform_0(%arg0: i32) -> i32 {
    %c0_i32 = arith.constant 0 : i32
    %c0_i32_0 = arith.constant 0 : i32
    return %c0_i32 : i32
  }
  func.func @transform_1(%arg0: i32) -> (i32, i32) {
    %c0_i32 = arith.constant 0 : i32
    %c0_i32_0 = arith.constant 0 : i32
    return %arg0, %c0_i32 : i32, i32
  }
  func.func @transform_2(%arg0: i32) -> (i32, i32) {
    %c0_i32 = arith.constant 0 : i32
    %c0_i32_0 = arith.constant 0 : i32
    %c0_i32_1 = arith.constant 0 : i32
    return %c0_i32, %c0_i32_0 : i32, i32
  }
}

</mosaic_0001>

<sc_bundles>
// kernel: kernel.4.cloned.1.call-start
scs
__scs_entry_jumppad:
0x0: {  	(pc) =	sbr.rel $0x88, $3  }
0x1: {  	(tag) =	ssettag $0x0;
	lr =	simm.s32 $0x1  }
0x2: {  	[smem:$0x3F9B] =	sst lr;
	_ =	strace $0xD0000000  }
0x3: {  	_ = 	snop  }
0x4: {  	_ = 	snop  }
0x5: {  	_ = 	snop  }
0x6: {  	_ = 	snop  }
0x7: {  	_ = 	snop  }
__scs_overlays_trampoline_lowered:
0x8: {  	[smem:$0x3FAA] =	sst s0  }
0x9: {  	[smem:$0x3FAB] =	sst s1  }
0xa: {  	[smem:$0x3FAC] =	sst s2  }
0xb: {  	[smem:$0x3FAD] =	sst s3  }
0xc: {  	[smem:$0x3FAE] =	sst s4  }
0xd: {  	[smem:$0x3FAF] =	sst s5  }
0xe: {  	[smem:$0x3FB0] =	sst s6  }
0xf: {  	[smem:$0x3FB1] =	sst s7  }
0x10: {  	[smem:$0x3FB2] =	sst s8  }
0x11: {  	[smem:$0x3FB3] =	sst s9;
	s0 =	simm.s32 @!p0 $0x0  }
0x12: {  	s1 =	sld [smem:$0x3F99];
	s0 =	simm.s32 @p0 $0x1  }
0x13: {  	[smem:$0x3FB4] =	sst s0;
	s0 =	simm.s32 @!p1 $0x0  }
0x14: {  	s2 =	sld [smem:$0x3F98];
	s0 =	simm.s32 @p1 $0x1  }
0x15: {  	[smem:$0x3FB5] =	sst s0;
	s0 =	simm.s32 @!p2 $0x0  }
0x16: {  	s3 =	sld [smem:$0x3FDB];
	s0 =	simm.s32 @p2 $0x1  }
0x17: {  	s4 =	simm.s32 $0x1BF5;
	[smem:$0x3FB7] =	sst s0  }
0x18: {  	s0 =	sld [smem:$0x3F9A];
	_ =	swait.ge [sflag:s4], $0x0  }
0x19: {  	s7 =	sld [smem:$0x3F9B]  }
0x1a: {  	s8 =	sadd.s32 $0xFFFFE003, lr  }
0x1b: {  	s9 =	sadd.s32 $0xFFFFFEF7, lr;
	s5 =	simm.s32 $0xFFFFFFFF;
	p2 =	slt.u32 s8, $0xFFFFF086  }
0x1c: {  	p1 =	slt.u32 s9, $0xF7A;
	s5 =	simm.s32 @!p2 $0x0  }
0x1d: {  	s5 =	simm.s32 @p1 $0x1;
	p0 =	seq.s32 s7, s2  }
0x1e: {  	s7 =	smul.u32 @!p0 $0xF7A, s2;
	p2 =	seq.s32 @!p0 s5, $0x0  }
0x1f: {  	s9 =	smul.u32 $0xF7A, s1;
	s8 =	simm.s32 @!p0 $0x1BF5;
	p2 =	por !p2, p0  }
0x20: {  	[sflag:s8] =	ssyncset.s32 @!p0 $0xFFFFF086;
	s6 =	sadd.s32 @!p0 s3, s7;
	s7 =	simm.s32 @!p0 $0x108  }
0x21: {  	s3 =	sadd.s32 s3, s9;
	s6 =	sadd.s32 @!p0 $0x88, s6;
	s7 =	simm.s32 @p2 $0x1082  }
0x22: {  	[simem:s7], [sflag:s8] =	dma.local @!p0 [hbm:s6], $0xF7A  }
0x23: {  	s9 =	sor.u32 $0xD0000000, s2;
	s6 =	simm.s32 $0x108;
	_ =	swait.ge @!p0 [sflag:s8], $0x0  }
0x24: {  	s3 =	sadd.s32 $0x88, s3;
	s6 =	simm.s32 @!p1 $0x1082;
	[sflag:s4] =	ssyncset.s32 $0xFFFFF086  }
0x25: {  	[simem:s6], [sflag:s4] =	dma.local [hbm:s3], $0xF7A  }
0x26: {  	[smem:$0x3F9B] =	sst s1;
	(tag) =	ssettag s2;
	_ =	strace s9  }
0x27: {  	s1 =	sld [smem:$0x3FAB]  }
0x28: {  	s2 =	sld [smem:$0x3FAC]  }
0x29: {  	s4 =	sld [smem:$0x3FAE]  }
0x2a: {  	p0 =	seq.s32 s5, $0x0;
	s5 =	sld [smem:$0x3FAF]  }
0x2b: {  	s6 =	sld [smem:$0x3FB0]  }
0x2c: {  	s7 =	sld [smem:$0x3FB1]  }
0x2d: {  	s3 =	simm.s32 $0x108;
	s8 =	sld [smem:$0x3FB2]  }
0x2e: {  	s3 =	simm.s32 @!p0 $0x1082;
	s9 =	sld [smem:$0x3FB3]  }
0x2f: {  	lr =	sadd.s32 s0, s3;
	s0 =	sld [smem:$0x3FAA]  }
0x30: {  	s3 =	sld [smem:$0x3FAD]  }
0x31: {  	[smem:$0x3FB6] =	sst s10  }
0x32: {  	s10 =	sld [smem:$0x3FB4];
	_ =	sdelay $0x3  }
0x33: {  	p0 =	seq.s32 s10, $0x1;
	s10 =	sld [smem:$0x3FB6];
	_ =	sdelay $0x3  }
0x34: {  	[smem:$0x3FB6] =	sst s10  }
0x35: {  	s10 =	sld [smem:$0x3FB5];
	_ =	sdelay $0x3  }
0x36: {  	p1 =	seq.s32 s10, $0x1;
	s10 =	sld [smem:$0x3FB6];
	_ =	sdelay $0x3  }
0x37: {  	[smem:$0x3FB6] =	sst s10  }
0x38: {  	s10 =	sld [smem:$0x3FB7]  }
0x39: {  	_ = 	snop;
	(pc) =	sbr.ind lr, $3  }
0x3a: {  	_ = 	snop  }
0x3b: {  	_ = 	snop  }
0x3c: {  	p2 =	seq.s32 s10, $0x1;
	s10 =	sld [smem:$0x3FB6]  }
0x3d: {  	_ =	shalt  }
0x3e: {  	_ =	shalt  }
0x3f: {  	_ =	shalt  }
0x40: {  	_ =	shalt  }
0x41: {  	_ =	shalt  }
0x42: {  	_ =	shalt  }
0x43: {  	_ =	shalt  }
0x44: {  	_ =	shalt  }
0x45: {  	_ =	shalt  }
0x46: {  	_ =	shalt  }
0x47: {  	_ =	shalt  }
0x48: {  	_ =	shalt  }
0x49: {  	_ =	shalt  }
0x4a: {  	_ =	shalt  }
0x4b: {  	_ =	shalt  }
0x4c: {  	_ =	shalt  }
0x4d: {  	_ =	shalt  }
0x4e: {  	_ =	shalt  }
0x4f: {  	_ =	shalt  }
0x50: {  	_ =	shalt  }
0x51: {  	_ =	shalt  }
0x52: {  	_ =	shalt  }
0x53: {  	_ =	shalt  }
0x54: {  	_ =	shalt  }
0x55: {  	_ =	shalt  }
0x56: {  	_ =	shalt  }
0x57: {  	_ =	shalt  }
0x58: {  	_ =	shalt  }
0x59: {  	_ =	shalt  }
0x5a: {  	_ =	shalt  }
0x5b: {  	_ =	shalt  }
0x5c: {  	_ =	shalt  }
0x5d: {  	_ =	shalt  }
0x5e: {  	_ =	shalt  }
0x5f: {  	_ =	shalt  }
0x60: {  	_ =	shalt  }
0x61: {  	_ =	shalt  }
0x62: {  	_ =	shalt  }
0x63: {  	_ =	shalt  }
0x64: {  	_ =	shalt  }
0x65: {  	_ =	shalt  }
0x66: {  	_ =	shalt  }
0x67: {  	_ =	shalt  }
0x68: {  	_ =	shalt  }
0x69: {  	_ =	shalt  }
0x6a: {  	_ =	shalt  }
0x6b: {  	_ =	shalt  }
0x6c: {  	_ =	shalt  }
0x6d: {  	_ =	shalt  }
0x6e: {  	_ =	shalt  }
0x6f: {  	_ =	shalt  }
0x70: {  	_ =	shalt  }
0x71: {  	_ =	shalt  }
0x72: {  	_ =	shalt  }
0x73: {  	_ =	shalt  }
0x74: {  	_ =	shalt  }
0x75: {  	_ =	shalt  }
0x76: {  	_ =	shalt  }
0x77: {  	_ =	shalt  }
0x78: {  	_ =	shalt  }
0x79: {  	_ =	shalt  }
0x7a: {  	_ =	shalt  }
0x7b: {  	_ =	shalt  }
0x7c: {  	_ =	shalt  }
0x7d: {  	_ =	shalt  }
0x7e: {  	_ =	shalt  }
0x7f: {  	_ =	shalt  }
0x80: {  	_ =	shalt  }
0x81: {  	_ =	shalt  }
0x82: {  	_ =	shalt  }
0x83: {  	_ =	shalt  }
0x84: {  	_ =	shalt  }
0x85: {  	_ =	shalt  }
0x86: {  	_ =	shalt  }
0x87: {  	_ =	shalt  }
.Lfunc_end0:
.L_simem_size_0:
called_computation_lowered:
.L_overlay_start_0:
0x88: {  	s0 =	sld [smem:$0x3FD9]  }
0x89: {  	s1 =	sld [smem:$0x3FFE];
	_ =	sdelay $0x3  }
0x8a: {  	s0 =	sadd.s32 s1, s0  }
0x8b: {  	[smem:$0x3FC2] =	sst s0  }
0x8c: {  	_ = 	snop  }
0x8d: {  	s0 =	sld [smem:$0x3FD0];
	_ =	sdelay $0x1  }
0x8e: {  	s13 =	sld [smem:$0x3FC7]  }
0x8f: {  	s3 =	simm.s32 $0xA;
	s4 =	simm.s32 $0x10;
	s2 =	sld [smem:$0x3FC6]  }
0x90: {  	[smem:s4], [sflag:s3] =	dma.local [hbm:s0], $0x1  }
0x91: {  	_ =	swait.eq [sflag:s3], $0x1  }
0x92: {  	[sflag:s3] =	ssyncset.done $0x0  }
0x93: {  	s14 =	sld [smem:$0x11];
	[sflag:s3] =	ssyncadd.s32 $0xFFFFFFFF  }
0x94: {  	s15 =	sld [smem:$0x12];
	(tm) =	ssettm $0x1  }
0x95: {  	s16 =	sld [smem:$0x3FFB];
	_ =	sdelay $0x3  }
0x96: {  	_ =	strace s16  }
0x97: {  	s4 =	sld [smem:$0x3FFC];
	_ =	sdelay $0x3  }
0x98: {  	_ =	strace s4  }
0x99: {  	s4 =	sld [smem:$0x3FFD];
	_ =	sdelay $0x3  }
0x9a: {  	_ =	strace s4  }
0x9b: {  	_ =	strace $0x8FFFFFFF  }
0x9c: {  	s17 =	sld [smem:$0x3FDB];
	_ =	sdelay $0x1  }
0x9d: {  	s5 =	simm.s32 $_scs_section_size  }
0x9e: {  	s6 =	simm.s32 $_size__tile_overlayer_lowered;
	s7 =	simm.s32 $_tile_overlayer_lowered  }
0x9f: {  	s20 =	simm.s32 $0x1BFF;
	s19 =	sshll.u32 s7, $0x1;
	s4 =	sadd.s32 s5, s17  }
0xa0: {  	s8 =	simm.s32 $0x0;
	s18 =	sshll.u32 s6, $0x1;
	s6 =	sadd.s32 s19, s4  }
0xa1: {  	[timem:s8], [sflag:s20] =	dma.local [hbm:s6], s18  }
0xa2: {  	_ =	swait.ge [sflag:s20], s18  }
0xa3: {  	s5 =	ssub.s32 $0x0, s18;
	[sflag:s20] =	ssyncset.done $0x0  }
0xa4: {  	[sflag:s20] =	ssyncadd.s32 s5;
	_ =	sdelay $0x1  }
0xa5: {  	s21 =	simm.s32 $0x1B8B  }
0xa6: {  	_ =	swait.ge [sflag:s21], $0x1  }
0xa7: {  	[sflag:s21] =	ssyncset.done $0x0  }
0xa8: {  	s23 =	simm.s32 $0x1B8E;
	s22 =	sld [smem:$0x3FFE];
	[sflag:s21] =	ssyncadd.s32 $0xFFFFFFFF  }
0xa9: {  	s24 =	simm.s32 $execute0_lowered;
	[smem:$0x3FD2] =	sst s23  }
0xaa: {  	s6 =	sshll.u32 s24, $0x1;
	_ =	strace $0x80000046;
	[dreg:$0x1] =	wrdreg $0xFFFFFFFF  }
0xab: {  	s25 =	simm.s32 $_size_execute0_lowered;
	s4 =	sadd.s32 s4, s6;
	[dreg:$0x0] =	wrdreg $0x0  }
0xac: {  	s6 =	sshll.u32 s25, $0x1;
	[dreg:$0x2] =	wrdreg s4  }
0xad: {  	[dreg:$0x3] =	wrdreg s6  }
0xae: {  	[dreg:$0x4] =	wrdreg $0xC0  }
0xaf: {  	_ =	task [dreg:s8], $0x5FFFF  }
0xb0: {  	[dreg:$0x1] =	wrdreg $0xFFFFFFFF  }
0xb1: {  	[dreg:$0x0] =	wrdreg $0x60  }
0xb2: {  	[dreg:$0x2] =	wrdreg s22  }
0xb3: {  	[dreg:$0x3] =	wrdreg s13  }
0xb4: {  	[dreg:$0x4] =	wrdreg s2  }
0xb5: {  	[dreg:$0x5] =	wrdreg s14  }
0xb6: {  	[dreg:$0x6] =	wrdreg s15  }
0xb7: {  	[dreg:$0x7] =	wrdreg $0x160800  }
0xb8: {  	[dreg:$0x8] =	wrdreg $0x9  }
0xb9: {  	_ =	task.clear_ibuf [dreg:s8], $0x9FFFF;
	_ =	strace $0x90000046  }
0xba: {  	s26 =	simm.s32 $0x9;
	_ =	strace $0x80000048  }
0xbb: {  	_ =	swait.ge [sflag:s26], $0x1  }
0xbc: {  	[sflag:s26] =	ssyncadd.s32 $0xFFFFFFFF  }
0xbd: {  	_ =	strace $0x90000048  }
0xbe: {  	_ =	sfence  }
0xbf: {  	s28 =	sld [smem:$0x0];
	_ =	sdelay $0x1  }
0xc0: {  	s29 =	srdreg.scid  }
0xc1: {  	s30 =	sshll.u32 s29, $0xD;
	s31 =	sshrl.u32 s29, $0x2  }
0xc2: {  	s1 =	sand.u32 $0x1, s29;
	s2 =	sand.u32 $0x4000, s30;
	s0 =	sadd.s32 s31, s28  }
0xc3: {  	s1 =	sor.u32 s2, s1;
	s0 =	sshll.u32 s0, $0x11  }
0xc4: {  	s0 =	sor.u32 s0, s1  }
0xc5: {  	s0 =	sadd.s32 $0x8F2B, s0  }
0xc6: {  	[sflag:s0] =	ssyncadd.remote.s32 $0x1  }
0xc7: {  	_ =	sfence.sel $0xFFFF  }
0xc8: {  	[dreg:$0x0] =	wrdreg $0xFFFFFFFF;
	(pc) =	sbr.abs _section_cstart, $3  }
0xc9: {  	[dreg:$0x1] =	wrdreg $0xFFFFFFFF  }
0xca: {  	_ =	task.clear_ibuf [dreg:s8], $0x2FFFF;
	_ =	strace $0x9FFFFFFF  }
0xcb: {  	(tm) =	ssettm $0x7FFFFFFF  }
tec
execute0_lowered:
.L_overlay_start_1:
0x0: {  	(tag) =	ssettag $0x1  }
0x1: {  	s3 =	rddreg [dreg:$0x0]  }
0x2: {  	s6 =	rddreg [dreg:$0x1]  }
0x3: {  	s7 =	rddreg [dreg:$0x2]  }
0x4: {  	s4 =	rddreg [dreg:$0x3]  }
0x5: {  	s2 =	rddreg [dreg:$0x4]  }
0x6: {  	s5 =	rddreg [dreg:$0x5];
	s1 =	stileid.u32  }
0x7: {  	s0 =	rddreg [dreg:$0x6];
	s8 =	simm.s32 $0x0;
	s9 =	sshll.u32 s1, $0xC  }
0x8: {  	[smem:$0x7FF] =	sst s8;
	s9 =	sadd.s32 s9, s3  }
0x9: {  	s28 =	simm.s32 $0x1;
	_ =	strace $0x80000047;
	s9 =	sadd.s32 $0xA00, s9  }
0xa: {  	[tilespmem:s8], [sflag:$0x1] =	stream.linear.gather [hbm4b:s9+s8], $0x8000, $0x38;
	[tilespmem:$0x18080] =	vst v63  }
0xb: {  	_ =	swait.ge [sflag:s28], $0x8000  }
0xc: {  	[sflag:s28] =	ssyncset.done $0x0  }
0xd: {  	s10 =	simm.s32 $0x16000;
	s3 =	sadd.s32 $0x10A00, s3;
	[sflag:s28] =	ssyncadd.s32 $0xFFFF8000  }
0xe: {  	[tilespmem:s10], [sflag:$0x1] =	stream.linear.gather [hbm4b:s3+s8], $0x80, $0x38;
	[tilespmem:$0x18080] =	vst v63  }
0xf: {  	_ =	swait.ge [sflag:s28], $0x80  }
0x10: {  	s3 =	sshll.u32 s1, $0xA;
	[sflag:s28] =	ssyncset.done $0x0  }
0x11: {  	s29 =	simm.s32 $0x10000;
	s6 =	sadd.s32 s6, s3;
	[sflag:s28] =	ssyncadd.s32 $0xFFFFFF80  }
0x12: {  	[tilespmem:s29], [sflag:$0x1] =	stream.linear.gather [hbm4b:s6+s8], $0x2000, $0x38;
	[tilespmem:$0x18080] =	vst v63  }
0x13: {  	_ =	swait.ge [sflag:s28], $0x2000  }
0x14: {  	[sflag:s28] =	ssyncset.done $0x0  }
0x15: {  	s31 =	simm.s32 $0x14000;
	s30 =	sadd.s32 s7, s3;
	[sflag:s28] =	ssyncadd.s32 $0xFFFFE000  }
0x16: {  	[tilespmem:s31], [sflag:$0x1] =	stream.linear.gather [hbm4b:s30+s8], $0x2000, $0x38;
	[tilespmem:$0x18080] =	vst v63  }
0x17: {  	_ =	swait.ge [sflag:s28], $0x2000  }
0x18: {  	[sflag:s28] =	ssyncset.done $0x0  }
0x19: {  	[sflag:s28] =	ssyncadd.s32 $0xFFFFE000  }
0x1a: {  	v0 =	vld [tilespmem:$0x16000];
	_ =	sdelay $0x3  }
0x1b: {  	v1 =	vimm.s32 $0x1  }
0x1c: {  	v1 =	vperm.xlane v0, v1  }
0x1d: {  	v3 =	vimm.s32 $0x0;
	s7 =	simm.s32 $0x0;
	s6 =	simm.s32 $0x20  }
0x1e: {  	s8 =	simm.s32 $0x100;
	v2 =	vld [tilespmem:s6+$0xFFFFFFE0];
	v0 =	vperm.xlane v0, v3;
	[tilespmem:s7+$0xC000] =	vst v1  }
.LBB2_1:
0x1f: {  	p0 =	sne.s32 s8, $0xFF00;
	_ =	sdelay $0x3  }
0x20: {  	[tilespmem:s7+$0x8000] =	vst v2  }
0x21: {  	v2 =	vld [tilespmem:s6+$0xFFFFFFF0];
	_ =	sdelay $0x3  }
0x22: {  	[tilespmem:s7+$0xC010] =	vst v1  }
0x23: {  	[tilespmem:s7+$0x8010] =	vst v2  }
0x24: {  	v2 =	vld [tilespmem:s6+$0x0];
	_ =	sdelay $0x3  }
0x25: {  	[tilespmem:s7+$0xC020] =	vst v1  }
0x26: {  	[tilespmem:s7+$0x8020] =	vst v2  }
0x27: {  	v2 =	vld [tilespmem:s6+$0x10];
	[tilespmem:s7+$0xC030] =	vst v1;
	_ =	sdelay $0x1  }
.Ltmp0:
0x28: {  	(pc) =	sbr.rel @p0 .LBB2_1-.Ltmp0, $3  }
0x29: {  	_ =	sdelay $0x1  }
0x2a: {  	s6 =	sadd.s32 $0x80, s6;
	[tilespmem:s7+$0x8030] =	vst v2;
	s7 =	sshra.s32 s8, $0x2  }
0x2b: {  	s8 =	sadd.s32 $0x100, s8;
	v2 =	vld [tilespmem:s6+$0xFFFFFFE0];
	[tilespmem:s7+$0xC000] =	vst v1  }
0x2c: {  	_ =	sdelay $0x3  }
0x2d: {  	[tilespmem:s7+$0x8000] =	vst v2  }
0x2e: {  	v2 =	vld [tilespmem:s6+$0xFFFFFFF0];
	_ =	sdelay $0x3  }
0x2f: {  	[tilespmem:s7+$0xC010] =	vst v1  }
0x30: {  	[tilespmem:s7+$0x8010] =	vst v2  }
0x31: {  	v2 =	vld [tilespmem:s6+$0x0];
	_ =	sdelay $0x3  }
0x32: {  	[tilespmem:s7+$0xC020] =	vst v1  }
0x33: {  	[tilespmem:s7+$0x8020] =	vst v2  }
0x34: {  	v2 =	vld [tilespmem:s6+$0x10];
	_ =	sdelay $0x3  }
0x35: {  	[tilespmem:s7+$0xC030] =	vst v1  }
0x36: {  	s6 =	simm.s32 $0x0;
	[tilespmem:s7+$0x8030] =	vst v2  }
0x37: {  	v1 =	vld [tilespmem:s6+$0x10000]  }
0x38: {  	v3 =	vld [tilespmem:s6+$0x10010]  }
0x39: {  	s7 =	simm.s32 $0x100;
	v2 =	vld [tilespmem:s6+$0x10020]  }
.LBB2_3:
0x3a: {  	p0 =	sne.s32 s7, $0x7F00;
	v4 =	vld [tilespmem:s6+$0x10030];
	_ =	sdelay $0x1  }
0x3b: {  	v1 =	vmul.f32 v0, v1  }
.Ltmp1:
0x3c: {  	v3 =	vmul.f32 v0, v3;
	(pc) =	sbr.rel @p0 .LBB2_3-.Ltmp1, $4  }
0x3d: {  	s8 =	sshra.s32 s7, $0x2;
	[tilespmem:s6+$0x10000] =	vst v1;
	v2 =	vmul.f32 v0, v2  }
0x3e: {  	v1 =	vld [tilespmem:s8+$0x10000];
	[tilespmem:s6+$0x10010] =	vst v3;
	v4 =	vmul.f32 v0, v4  }
0x3f: {  	v3 =	vld [tilespmem:s8+$0x10010];
	[tilespmem:s6+$0x10020] =	vst v2  }
0x40: {  	s7 =	sadd.s32 $0x100, s7;
	v2 =	vld [tilespmem:s8+$0x10020];
	[tilespmem:s6+$0x10030] =	vst v4;
	s6 =	smov.u32 s8  }
0x41: {  	v4 =	vld [tilespmem:s6+$0x10030];
	_ =	sdelay $0x1  }
0x42: {  	v1 =	vmul.f32 v0, v1  }
0x43: {  	v3 =	vmul.f32 v0, v3  }
0x44: {  	[tilespmem:s6+$0x10000] =	vst v1;
	v1 =	vmul.f32 v0, v2  }
0x45: {  	[tilespmem:s6+$0x10010] =	vst v3;
	v0 =	vmul.f32 v0, v4  }
0x46: {  	s7 =	sshll.u32 s1, $0xD;
	[tilespmem:s6+$0x10020] =	vst v1  }
0x47: {  	s26 =	simm.s32 $0x10000;
	s28 =	simm.s32 $0x1;
	s25 =	sadd.s32 s7, s5;
	[tilespmem:s6+$0x10030] =	vst v0  }
0x48: {  	[spmem:s25] =	stream.linear.scatter [tilespmem:s26], [sflag:$0x1], $0x2000, $0x38;
	[tilespmem:$0x18080] =	vst v63  }
0x49: {  	_ =	swait.ge [sflag:s28], $0x2000  }
0x4a: {  	[sflag:s28] =	ssyncset.done $0x0  }
0x4b: {  	s8 =	simm.s32 $0x4000;
	[sflag:s28] =	ssyncadd.s32 $0xFFFFE000  }
0x4c: {  	s9 =	simm.s32 $0x8000;
	s10 =	simm.s32 $0xC000;
	[bflag:$0x0] =	sbarrier.arrive $0xFFFF  }
0x4d: {  	[spmem:s5] =	stream.indirect.scatter.add.f32 [tilespmem:s10], [sflag:$0x1], $0x1, s9, s8, $0xb8;
	[tilespmem:$0x18080] =	vst v63  }
0x4e: {  	_ =	swait.ge [sflag:s28], $0x4000  }
0x4f: {  	[sflag:s28] =	ssyncset.done $0x0  }
0x50: {  	s4 =	sadd.s32 s4, s3;
	s29 =	sshll.u32 s1, $0x6;
	[sflag:s28] =	ssyncadd.s32 $0xFFFFC000  }
0x51: {  	s30 =	sshrl.u32 s25, $0x3;
	s5 =	sor.u32 $0x1C01, s29;
	[bflag:$0x0] =	sbarrier.arrive $0xFFFF  }
0x52: {  	[hbm:s4], [sflag:s5] =	dma.local [spmem:s30], $0x400  }
0x53: {  	_ =	swait.ge [sflag:s28], $0x400  }
0x54: {  	[sflag:s28] =	ssyncset.done $0x0  }
0x55: {  	s31 =	simm.s32 $0x12000;
	[sflag:s28] =	ssyncadd.s32 $0xFFFFFC00  }
0x56: {  	[tilespmem:s31], [sflag:$0x1] =	stream.linear.gather [spmem:s25], $0x2000, $0x38;
	[tilespmem:$0x18080] =	vst v63  }
0x57: {  	_ =	swait.ge [sflag:s28], $0x2000  }
0x58: {  	[sflag:s28] =	ssyncset.done $0x0  }
0x59: {  	s4 =	simm.s32 $0x0;
	[sflag:s28] =	ssyncadd.s32 $0xFFFFE000  }
0x5a: {  	v6 =	vld [tilespmem:s4+$0x12000]  }
0x5b: {  	v2 =	vld [tilespmem:s4+$0x10000]  }
0x5c: {  	v0 =	vld [tilespmem:s4+$0x12010]  }
0x5d: {  	v4 =	vld [tilespmem:s4+$0x10010]  }
0x5e: {  	v1 =	vld [tilespmem:s4+$0x12020]  }
0x5f: {  	v5 =	vld [tilespmem:s4+$0x10020]  }
0x60: {  	v3 =	vld [tilespmem:s4+$0x12030]  }
0x61: {  	v9 =	vld [tilespmem:s4+$0x14000]  }
0x62: {  	v8 =	vld [tilespmem:s4+$0x14010]  }
0x63: {  	s5 =	simm.s32 $0x100;
	v7 =	vld [tilespmem:s4+$0x14020]  }
.LBB2_5:
0x64: {  	p0 =	sne.s32 s5, $0x7F00;
	v10 =	vld [tilespmem:s4+$0x14030]  }
0x65: {  	s6 =	sshra.s32 s5, $0x2;
	v11 =	vld [tilespmem:s4+$0x10030]  }
0x66: {  	v12 =	vld [tilespmem:s6+$0x12000];
	v9 =	vadd.f32 $1.000000000e+00, v9  }
0x67: {  	vm0 =	vgt.f32 v6, v2;
	v2 =	vld [tilespmem:s6+$0x10000];
	v6 =	vadd.f32 $1.000000000e+00, v8  }
0x68: {  	v8 =	vsel vm0, $0x0, v9;
	vm0 =	vgt.f32 v0, v4;
	v0 =	vld [tilespmem:s6+$0x12010];
	v7 =	vadd.f32 $1.000000000e+00, v7  }
0x69: {  	v4 =	vld [tilespmem:s6+$0x10010];
	[tilespmem:s4+$0x14000] =	vst v8;
	v13 =	vsel vm0, $0x0, v6;
	vm0 =	vgt.f32 v1, v5;
	v8 =	vadd.f32 $1.000000000e+00, v10  }
0x6a: {  	v1 =	vld [tilespmem:s6+$0x12020];
	[tilespmem:s4+$0x14010] =	vst v13;
	v9 =	vsel vm0, $0x0, v7;
	vm0 =	vgt.f32 v3, v11  }
.Ltmp2:
0x6b: {  	v5 =	vld [tilespmem:s6+$0x10020];
	[tilespmem:s4+$0x14020] =	vst v9;
	v7 =	vsel vm0, $0x0, v8;
	v6 =	vmov v12;
	(pc) =	sbr.rel @p0 .LBB2_5-.Ltmp2, $4  }
0x6c: {  	v3 =	vld [tilespmem:s6+$0x12030];
	[tilespmem:s4+$0x14030] =	vst v7;
	s4 =	smov.u32 s6  }
0x6d: {  	v9 =	vld [tilespmem:s4+$0x14000]  }
0x6e: {  	v8 =	vld [tilespmem:s4+$0x14010]  }
0x6f: {  	s5 =	sadd.s32 $0x100, s5;
	v7 =	vld [tilespmem:s4+$0x14020]  }
0x70: {  	v10 =	vld [tilespmem:s4+$0x14030]  }
0x71: {  	v11 =	vld [tilespmem:s4+$0x10030]  }
0x72: {  	v9 =	vadd.f32 $1.000000000e+00, v9  }
0x73: {  	vm0 =	vgt.f32 v6, v2;
	v60 =	vadd.f32 $1.000000000e+00, v8  }
0x74: {  	vm13 =	vgt.f32 v0, v4;
	v6 =	vsel vm0, $0x0, v9;
	v61 =	vadd.f32 $1.000000000e+00, v7  }
0x75: {  	vm14 =	vgt.f32 v1, v5;
	[tilespmem:s4+$0x14000] =	vst v6;
	v2 =	vsel vm13, $0x0, v60;
	v62 =	vadd.f32 $1.000000000e+00, v10  }
0x76: {  	vm15 =	vgt.f32 v3, v11;
	[tilespmem:s4+$0x14010] =	vst v2;
	v0 =	vsel vm14, $0x0, v61  }
0x77: {  	s2 =	sadd.s32 s2, s3;
	[tilespmem:s4+$0x14020] =	vst v0;
	v63 =	vsel vm15, $0x0, v62  }
0x78: {  	s29 =	simm.s32 $0x0;
	s30 =	simm.s32 $0x14000;
	s31 =	simm.s32 $0x1;
	[tilespmem:s4+$0x14030] =	vst v63  }
0x79: {  	[hbm4b:s2+s29] =	stream.linear.scatter [tilespmem:s30], [sflag:$0x1], $0x2000, $0x38;
	[tilespmem:$0x18080] =	vst v63  }
0x7a: {  	_ =	swait.ge [sflag:s31], $0x2000  }
0x7b: {  	[sflag:s31] =	ssyncset.done $0x0  }
0x7c: {  	[sflag:s31] =	ssyncadd.s32 $0xFFFFE000  }
0x7d: {  	_ =	sfence.sel $0x180000  }
0x7e: {  	[bflag:$0x0] =	sbarrier.arrive $0xFFFF  }
0x7f: {  	p0 =	sne.s32 s1, $0x0;
	_ =	strace $0x90000047  }
0x80: {  	s0 =	sadd.s32 @!p0 $0x100000, s0;
	[bflag:$0x2] =	sbarrier.arrive $0xFFFF  }
0x81: {  	[sflag:s0] =	ssyncadd.tile.s32 @!p0 $0x1;
	_ =	shalt  }
.Lfunc_end2:
_tile_overlayer_lowered:
.L_overlay_start_2:
0x82: {  	(tag) =	ssettag $0x2  }
0x83: {  	s0 =	rddreg [dreg:$0x0];
	s2 =	stileid.u32  }
0x84: {  	s1 =	rddreg [dreg:$0x1];
	p0 =	sne.s32 s2, $0x0  }
0x85: {  	s3 =	rddreg [dreg:$0x2];
	[bflag:$0x3] =	sbarrier.arrive $0xFFFF;
	s2 =	simm.s32 @!p0 $0x1C01  }
0x86: {  	[timem:s3], [sflag:s2] =	dma.local @!p0 [hbm:s0], s1  }
0x87: {  	s0 =	simm.s32 @!p0 $0x1  }
0x88: {  	_ =	swait.ge @!p0 [sflag:s0], s1  }
0x89: {  	s1 =	ssub.s32 @!p0 $0x0, s1;
	[sflag:s0] =	ssyncset.done @!p0 $0x0  }
0x8a: {  	[sflag:s0] =	ssyncadd.s32 @!p0 s1  }
0x8b: {  	[bflag:$0x3] =	sbarrier.arrive $0xFFFF  }
0x8c: {  	_ =	shalt  }

</sc_bundles>
